<compile_context>
chip_gen: v7x
topology: tpu7x:2x2x1
jax: 0.10.2.dev20260603
libtpu: 0.0.44.dev20260713+nightly
codegen_flags: <defaults>
</compile_context>

<pallas_src>
import functools

import jax
import jax.numpy as jnp
from jax import lax
from jax.experimental import pallas as pl
from jax.experimental.pallas import tpu as pltpu
from jax.experimental.pallas import tpu_sc as plsc

_DIM = 770
_KQ = 65536
_B = 4096
_EMB = 768
_N = _DIM * _KQ
_NW = 32
_CH = _N // _NW


_SUB = 45056
_ITERS = _CH // _SUB


def _sc_copy_body(q_hbm, o_hbm, buf, sem_in, sem_out):
    w = lax.axis_index("s") * 2 + lax.axis_index("c")
    base = pl.multiple_of(w * _CH, _CH)

    def src(k):
        return q_hbm.at[pl.ds(base + k * _SUB, _SUB)]

    def dst(k):
        return o_hbm.at[pl.ds(base + k * _SUB, _SUB)]

    pltpu.make_async_copy(src(0), buf.at[0], sem_in).start()

    def step(k, carry):
        b = lax.rem(k, 2)
        pltpu.make_async_copy(src(k), buf.at[b], sem_in).wait()
        pltpu.make_async_copy(buf.at[b], dst(k), sem_out).start()

        @pl.when(k >= 1)
        def _():
            pltpu.make_async_copy(buf.at[1 - b], dst(k - 1), sem_out).wait()

        @pl.when(k + 1 < _ITERS)
        def _():
            pltpu.make_async_copy(src(k + 1), buf.at[1 - b], sem_in).start()

        return carry

    lax.fori_loop(0, _ITERS, step, 0)
    last = _ITERS - 1
    pltpu.make_async_copy(buf.at[lax.rem(last, 2)], dst(last), sem_out).wait()


_sc_copy = functools.partial(
    pl.kernel,
    out_type=jax.ShapeDtypeStruct((_N,), jnp.float32),
    mesh=plsc.VectorSubcoreMesh(core_axis_name="c", subcore_axis_name="s"),
    scratch_types=[
        pltpu.VMEM((2, _SUB), jnp.float32),
        pltpu.SemaphoreType.DMA,
        pltpu.SemaphoreType.DMA,
    ],
)(_sc_copy_body)


def _tc_update_body(pb_ref, emb_ref, extra_ref, q_ref, o_ref):
    del pb_ref, q_ref
    o_ref[0:_EMB, :] = emb_ref[...].T
    o_ref[_EMB:_DIM, :] = extra_ref[...]


def kernel(embedding_batch, CLabel, NumofLabel, queue, queue_ptr):
    n = embedding_batch.shape[0]
    idx = jnp.arange(n, dtype=jnp.float32) + (
        jnp.asarray(NumofLabel, dtype=jnp.float32) - jnp.float32(n)
    )
    extra = jnp.stack([CLabel.astype(jnp.float32), idx])

    ptr = queue_ptr[0]
    p = jnp.where(ptr + _B >= _KQ - 1, jnp.int32(0), ptr).astype(jnp.int32)
    pb = (p // _B).reshape(1)

    copied = _sc_copy(queue.reshape(_N)).reshape(_DIM, _KQ)

    grid_spec = pltpu.PrefetchScalarGridSpec(
        num_scalar_prefetch=1,
        grid=(1,),
        in_specs=[
            pl.BlockSpec((n, _EMB), lambda i, pb: (0, 0)),
            pl.BlockSpec((2, _B), lambda i, pb: (0, 0)),
            pl.BlockSpec(memory_space=pl.ANY),
        ],
        out_specs=pl.BlockSpec((_DIM, _B), lambda i, pb: (0, pb[0])),
    )

    out = pl.pallas_call(
        _tc_update_body,
        grid_spec=grid_spec,
        out_shape=jax.ShapeDtypeStruct((_DIM, _KQ), jnp.float32),
        input_output_aliases={3: 0},
    )(pb, embedding_batch, extra, copied)

    new_ptr = p + jnp.int32(_B)
    return (out, new_ptr)

# --- scband reference (transcript-rebuilt; emitter-appended) ---
"""Pipeline reference for scband-mo-co-83408264888867 (READ-ONLY COPY).

The authoritative reference and input builder live on the scoring server;
editing this copy changes nothing except your own understanding.
"""

import jax, jax.numpy as jnp
import numpy as np

DIM = 770
KQ = 65536
B = 4096


def setup_inputs(seed: int = 0) -> dict:
    key = jax.random.key(seed)
    k1, k2, k3 = jax.random.split(key, 3)
    embedding_batch = jax.random.normal(k1, (B, 768), dtype=jnp.float32)
    CLabel = jax.random.uniform(k2, (B,), dtype=jnp.float32)
    queue = jax.random.normal(k3, (DIM, KQ), dtype=jnp.float32)
    queue = queue / jnp.linalg.norm(queue, axis=0, keepdims=True)
    queue_ptr = jnp.zeros((1,), dtype=jnp.int32)
    return {
        "embedding_batch": embedding_batch,
        "CLabel": CLabel,
        "NumofLabel": B,
        "queue": queue,
        "queue_ptr": queue_ptr,
    }


def reference(embedding_batch, CLabel, NumofLabel, queue, queue_ptr):
    n = embedding_batch.shape[0]
    emb = jnp.concatenate(
        [embedding_batch.reshape(n, 768), CLabel.reshape(n, 1)], axis=1
    )
    idx = jnp.arange(n, dtype=emb.dtype) + (
        jnp.asarray(NumofLabel, dtype=emb.dtype) - jnp.asarray(n, dtype=emb.dtype)
    )
    emb = jnp.concatenate(
        [emb, idx.reshape(n, 1)], axis=1
    )
    Kq = queue.shape[1]
    bs = emb.shape[0]
    ptr = queue_ptr[0]
    # if ptr + batch_size >= K - 1: ptr = 0
    ptr = jnp.where(ptr + bs >= Kq - 1, jnp.array(0, ptr.dtype), ptr)
    # queue[:, ptr:ptr+bs] = keys.T  (scatter-overwrite into the memory bank)
    queue_new = jax.lax.dynamic_update_slice(
        queue, emb.T, (jnp.array(0, ptr.dtype), ptr)
    )
    new_ptr = ptr + bs
    return (queue_new, new_ptr)

if __name__ == "__main__":
    import jax
    _d = setup_inputs()
    print(jax.jit(kernel)(*tuple(_d.values())))

</pallas_src>

<mosaic_0001>
#map = affine_map<(d0, d1) -> (0)>
module attributes {stable_mosaic.version = 14 : i64} {
  func.func @_sc_copy_body(%arg0: i32, %arg1: i32, %arg2: memref<50462720xf32, #tpu.memory_space<hbm>>, %arg3: memref<50462720xf32, #tpu.memory_space<hbm>>, %arg4: memref<2x45056xf32, #tpu.memory_space<vmem>>, %arg5: memref<!tpu.dma_semaphore, #tpu.memory_space<semaphore_mem>>, %arg6: memref<!tpu.dma_semaphore, #tpu.memory_space<semaphore_mem>>) attributes {dimension_semantics = [#tpu.dimension_semantics<core_parallel>, #tpu.dimension_semantics<subcore_parallel>], iteration_bounds = array<i64: 2, 16>, scalar_prefetch = 0 : i64, scratch_operands = 3 : i64, tpu.core_type = #tpu.core_type<sc_vector_subcore>, window_params = [{transform_indices = #map}, {transform_indices = #map}]} {
    %mul3A = arith.constant 2 : i32
    %mul3A_0 = arith.muli %arg1, %mul3A : i32
    %add3A = arith.addi %mul3A_0, %arg0 : i32
    %mul3A_1 = arith.constant 1576960 : i32
    %mul3A_2 = arith.muli %add3A, %mul3A_1 : i32
    %multiple_of3A = tpu.assume_multiple %mul3A_2, 1576960 : i32
    %add3A_3 = arith.constant 0 : i32
    %add3A_4 = arith.addi %multiple_of3A, %add3A_3 : i32
    %dma_start3A = arith.constant 0 : i32
    %dma_start3A_5 = arith.constant 0 : i32
    %dma_start3A_6 = tpu.memref_slice %arg4[%dma_start3A, %dma_start3A_5] : memref<2x45056xf32, #tpu.memory_space<vmem>> -> memref<1x45056xf32, #tpu.memory_space<vmem>>
    %dma_start3A_7 = tpu.memref_squeeze %dma_start3A_6 : memref<1x45056xf32, #tpu.memory_space<vmem>> -> memref<45056xf32, #tpu.memory_space<vmem>>
    %dma_start3A_8 = tpu.memref_slice %arg2[%add3A_4] : memref<50462720xf32, #tpu.memory_space<hbm>> -> memref<45056xf32, #tpu.memory_space<hbm>>
    %dma_start3A_9 = arith.constant 0 : i32
    %dma_start3A_10 = tpu.memref_slice %arg4[%dma_start3A, %dma_start3A_9] : memref<2x45056xf32, #tpu.memory_space<vmem>> -> memref<1x45056xf32, #tpu.memory_space<vmem>>
    %dma_start3A_11 = tpu.memref_squeeze %dma_start3A_10 : memref<1x45056xf32, #tpu.memory_space<vmem>> -> memref<45056xf32, #tpu.memory_space<vmem>>
    %dma_start3A_12 = tpu.memref_slice %arg2[%add3A_4] : memref<50462720xf32, #tpu.memory_space<hbm>> -> memref<45056xf32, #tpu.memory_space<hbm>>
    tpu.enqueue_dma source(%dma_start3A_12 : memref<45056xf32, #tpu.memory_space<hbm>>) target(%dma_start3A_11 : memref<45056xf32, #tpu.memory_space<vmem>>) target_semaphore(%arg5 : memref<!tpu.dma_semaphore, #tpu.memory_space<semaphore_mem>>)
    %scan3A = arith.constant 0 : i32
    %scan3A_13 = arith.constant 0 : i32
    %scan3A_14 = arith.constant 35 : i32
    %scan3A_15 = arith.addi %scan3A_13, %scan3A_14 : i32
    %scan3A_16 = arith.constant 1 : i32
    scf.for %scan3A_29 = %scan3A_13 to %scan3A_15 step %scan3A_16  : i32 {
      %rem3A_30 = arith.constant 2 : i32
      %rem3A_31 = arith.remsi %scan3A_29, %rem3A_30 : i32
      %mul3A_32 = arith.constant 45056 : i32
      %mul3A_33 = arith.muli %scan3A_29, %mul3A_32 : i32
      %add3A_34 = arith.addi %multiple_of3A, %mul3A_33 : i32
      %dma_wait3A_35 = arith.constant 0 : i32
      %dma_wait3A_36 = tpu.memref_slice %arg4[%rem3A_31, %dma_wait3A_35] : memref<2x45056xf32, #tpu.memory_space<vmem>> -> memref<1x45056xf32, #tpu.memory_space<vmem>>
      %dma_wait3A_37 = tpu.memref_squeeze %dma_wait3A_36 : memref<1x45056xf32, #tpu.memory_space<vmem>> -> memref<45056xf32, #tpu.memory_space<vmem>>
      %dma_wait3A_38 = tpu.memref_slice %arg2[%add3A_34] : memref<50462720xf32, #tpu.memory_space<hbm>> -> memref<45056xf32, #tpu.memory_space<hbm>>
      %dma_wait3A_39 = arith.constant 0 : i32
      %dma_wait3A_40 = tpu.memref_slice %arg4[%rem3A_31, %dma_wait3A_39] : memref<2x45056xf32, #tpu.memory_space<vmem>> -> memref<1x45056xf32, #tpu.memory_space<vmem>>
      %dma_wait3A_41 = tpu.memref_squeeze %dma_wait3A_40 : memref<1x45056xf32, #tpu.memory_space<vmem>> -> memref<45056xf32, #tpu.memory_space<vmem>>
      %dma_wait3A_42 = tpu.memref_slice %arg2[%add3A_34] : memref<50462720xf32, #tpu.memory_space<hbm>> -> memref<45056xf32, #tpu.memory_space<hbm>>
      tpu.wait_dma2 semaphore(%arg5 : memref<!tpu.dma_semaphore, #tpu.memory_space<semaphore_mem>>) src(%dma_wait3A_42 : memref<45056xf32, #tpu.memory_space<hbm>>) dst(%dma_wait3A_41 : memref<45056xf32, #tpu.memory_space<vmem>>)
      %mul3A_43 = arith.constant 45056 : i32
      %mul3A_44 = arith.muli %scan3A_29, %mul3A_43 : i32
      %add3A_45 = arith.addi %multiple_of3A, %mul3A_44 : i32
      %dma_start3A_46 = arith.constant 0 : i32
      %dma_start3A_47 = tpu.memref_slice %arg4[%rem3A_31, %dma_start3A_46] : memref<2x45056xf32, #tpu.memory_space<vmem>> -> memref<1x45056xf32, #tpu.memory_space<vmem>>
      %dma_start3A_48 = tpu.memref_squeeze %dma_start3A_47 : memref<1x45056xf32, #tpu.memory_space<vmem>> -> memref<45056xf32, #tpu.memory_space<vmem>>
      %dma_start3A_49 = tpu.memref_slice %arg3[%add3A_45] : memref<50462720xf32, #tpu.memory_space<hbm>> -> memref<45056xf32, #tpu.memory_space<hbm>>
      %dma_start3A_50 = tpu.memref_slice %arg3[%add3A_45] : memref<50462720xf32, #tpu.memory_space<hbm>> -> memref<45056xf32, #tpu.memory_space<hbm>>
      %dma_start3A_51 = arith.constant 0 : i32
      %dma_start3A_52 = tpu.memref_slice %arg4[%rem3A_31, %dma_start3A_51] : memref<2x45056xf32, #tpu.memory_space<vmem>> -> memref<1x45056xf32, #tpu.memory_space<vmem>>
      %dma_start3A_53 = tpu.memref_squeeze %dma_start3A_52 : memref<1x45056xf32, #tpu.memory_space<vmem>> -> memref<45056xf32, #tpu.memory_space<vmem>>
      tpu.enqueue_dma source(%dma_start3A_53 : memref<45056xf32, #tpu.memory_space<vmem>>) target(%dma_start3A_50 : memref<45056xf32, #tpu.memory_space<hbm>>) target_semaphore(%arg6 : memref<!tpu.dma_semaphore, #tpu.memory_space<semaphore_mem>>)
      %ge3A = arith.constant 1 : i32
      %ge3A_54 = arith.cmpi sge, %scan3A_29, %ge3A : i32
      %convert_element_type3A = arith.extui %ge3A_54 : i1 to i32
      %cond3A = arith.constant 0 : i32
      %cond3A_55 = arith.cmpi ne, %convert_element_type3A, %cond3A : i32
      scf.if %cond3A_55 {
        %sub3A = arith.constant 1 : i32
        %sub3A_62 = arith.subi %sub3A, %rem3A_31 : i32
        %sub3A_63 = arith.constant 1 : i32
        %sub3A_64 = arith.subi %scan3A_29, %sub3A_63 : i32
        %mul3A_65 = arith.constant 45056 : i32
        %mul3A_66 = arith.muli %sub3A_64, %mul3A_65 : i32
        %add3A_67 = arith.addi %multiple_of3A, %mul3A_66 : i32
        %dma_wait3A_68 = arith.constant 0 : i32
        %dma_wait3A_69 = tpu.memref_slice %arg4[%sub3A_62, %dma_wait3A_68] : memref<2x45056xf32, #tpu.memory_space<vmem>> -> memref<1x45056xf32, #tpu.memory_space<vmem>>
        %dma_wait3A_70 = tpu.memref_squeeze %dma_wait3A_69 : memref<1x45056xf32, #tpu.memory_space<vmem>> -> memref<45056xf32, #tpu.memory_space<vmem>>
        %dma_wait3A_71 = tpu.memref_slice %arg3[%add3A_67] : memref<50462720xf32, #tpu.memory_space<hbm>> -> memref<45056xf32, #tpu.memory_space<hbm>>
        %dma_wait3A_72 = tpu.memref_slice %arg3[%add3A_67] : memref<50462720xf32, #tpu.memory_space<hbm>> -> memref<45056xf32, #tpu.memory_space<hbm>>
        %dma_wait3A_73 = arith.constant 0 : i32
        %dma_wait3A_74 = tpu.memref_slice %arg4[%sub3A_62, %dma_wait3A_73] : memref<2x45056xf32, #tpu.memory_space<vmem>> -> memref<1x45056xf32, #tpu.memory_space<vmem>>
        %dma_wait3A_75 = tpu.memref_squeeze %dma_wait3A_74 : memref<1x45056xf32, #tpu.memory_space<vmem>> -> memref<45056xf32, #tpu.memory_space<vmem>>
        tpu.wait_dma2 semaphore(%arg6 : memref<!tpu.dma_semaphore, #tpu.memory_space<semaphore_mem>>) src(%dma_wait3A_75 : memref<45056xf32, #tpu.memory_space<vmem>>) dst(%dma_wait3A_72 : memref<45056xf32, #tpu.memory_space<hbm>>)
      } else {
      }
      %add3A_56 = arith.constant 1 : i32
      %add3A_57 = arith.addi %scan3A_29, %add3A_56 : i32
      %lt3A = arith.constant 35 : i32
      %lt3A_58 = arith.cmpi slt, %add3A_57, %lt3A : i32
      %convert_element_type3A_59 = arith.extui %lt3A_58 : i1 to i32
      %cond3A_60 = arith.constant 0 : i32
      %cond3A_61 = arith.cmpi ne, %convert_element_type3A_59, %cond3A_60 : i32
      scf.if %cond3A_61 {
        %add3A_62 = arith.constant 1 : i32
        %add3A_63 = arith.addi %scan3A_29, %add3A_62 : i32
        %mul3A_64 = arith.constant 45056 : i32
        %mul3A_65 = arith.muli %add3A_63, %mul3A_64 : i32
        %add3A_66 = arith.addi %multiple_of3A, %mul3A_65 : i32
        %sub3A = arith.constant 1 : i32
        %sub3A_67 = arith.subi %sub3A, %rem3A_31 : i32
        %dma_start3A_68 = arith.constant 0 : i32
        %dma_start3A_69 = tpu.memref_slice %arg4[%sub3A_67, %dma_start3A_68] : memref<2x45056xf32, #tpu.memory_space<vmem>> -> memref<1x45056xf32, #tpu.memory_space<vmem>>
        %dma_start3A_70 = tpu.memref_squeeze %dma_start3A_69 : memref<1x45056xf32, #tpu.memory_space<vmem>> -> memref<45056xf32, #tpu.memory_space<vmem>>
        %dma_start3A_71 = tpu.memref_slice %arg2[%add3A_66] : memref<50462720xf32, #tpu.memory_space<hbm>> -> memref<45056xf32, #tpu.memory_space<hbm>>
        %dma_start3A_72 = arith.constant 0 : i32
        %dma_start3A_73 = tpu.memref_slice %arg4[%sub3A_67, %dma_start3A_72] : memref<2x45056xf32, #tpu.memory_space<vmem>> -> memref<1x45056xf32, #tpu.memory_space<vmem>>
        %dma_start3A_74 = tpu.memref_squeeze %dma_start3A_73 : memref<1x45056xf32, #tpu.memory_space<vmem>> -> memref<45056xf32, #tpu.memory_space<vmem>>
        %dma_start3A_75 = tpu.memref_slice %arg2[%add3A_66] : memref<50462720xf32, #tpu.memory_space<hbm>> -> memref<45056xf32, #tpu.memory_space<hbm>>
        tpu.enqueue_dma source(%dma_start3A_75 : memref<45056xf32, #tpu.memory_space<hbm>>) target(%dma_start3A_74 : memref<45056xf32, #tpu.memory_space<vmem>>) target_semaphore(%arg5 : memref<!tpu.dma_semaphore, #tpu.memory_space<semaphore_mem>>)
      } else {
      }
    }
    %scan3A_17 = arith.constant 35 : i32
    %rem3A = arith.constant 34 : i32
    %rem3A_18 = arith.constant 2 : i32
    %rem3A_19 = arith.remsi %rem3A, %rem3A_18 : i32
    %add3A_20 = arith.constant 1531904 : i32
    %add3A_21 = arith.addi %multiple_of3A, %add3A_20 : i32
    %dma_wait3A = arith.constant 0 : i32
    %dma_wait3A_22 = tpu.memref_slice %arg4[%rem3A_19, %dma_wait3A] : memref<2x45056xf32, #tpu.memory_space<vmem>> -> memref<1x45056xf32, #tpu.memory_space<vmem>>
    %dma_wait3A_23 = tpu.memref_squeeze %dma_wait3A_22 : memref<1x45056xf32, #tpu.memory_space<vmem>> -> memref<45056xf32, #tpu.memory_space<vmem>>
    %dma_wait3A_24 = tpu.memref_slice %arg3[%add3A_21] : memref<50462720xf32, #tpu.memory_space<hbm>> -> memref<45056xf32, #tpu.memory_space<hbm>>
    %dma_wait3A_25 = tpu.memref_slice %arg3[%add3A_21] : memref<50462720xf32, #tpu.memory_space<hbm>> -> memref<45056xf32, #tpu.memory_space<hbm>>
    %dma_wait3A_26 = arith.constant 0 : i32
    %dma_wait3A_27 = tpu.memref_slice %arg4[%rem3A_19, %dma_wait3A_26] : memref<2x45056xf32, #tpu.memory_space<vmem>> -> memref<1x45056xf32, #tpu.memory_space<vmem>>
    %dma_wait3A_28 = tpu.memref_squeeze %dma_wait3A_27 : memref<1x45056xf32, #tpu.memory_space<vmem>> -> memref<45056xf32, #tpu.memory_space<vmem>>
    tpu.wait_dma2 semaphore(%arg6 : memref<!tpu.dma_semaphore, #tpu.memory_space<semaphore_mem>>) src(%dma_wait3A_28 : memref<45056xf32, #tpu.memory_space<vmem>>) dst(%dma_wait3A_25 : memref<45056xf32, #tpu.memory_space<hbm>>)
    return
  }
}

module attributes {stable_mosaic.version = 14 : i64} {
  func.func @_tc_update_body(%arg0: i32, %arg1: memref<1xi32, #tpu.memory_space<smem>>, %arg2: memref<4096x768xf32, #tpu.memory_space<vmem>>, %arg3: memref<2x4096xf32, #tpu.memory_space<vmem>>, %arg4: memref<770x65536xf32, #tpu.memory_space<any>>, %arg5: memref<770x4096xf32, #tpu.memory_space<vmem>>) attributes {dimension_semantics = [#tpu.dimension_semantics<arbitrary>], iteration_bounds = array<i64: 1>, scalar_prefetch = 1 : i64, scratch_operands = 0 : i64, tpu.core_type = #tpu.core_type<tc>, window_params = [{pipeline_mode = #tpu.pipeline_mode<synchronous>, transform_indices = @transform_0, window_bounds = array<i64: 4096, 768>}, {pipeline_mode = #tpu.pipeline_mode<synchronous>, transform_indices = @transform_1, window_bounds = array<i64: 2, 4096>}, {}, {transform_indices = @transform_3, window_bounds = array<i64: 770, 4096>}]} {
    %get3A = arith.constant 0 : index
    %get3A_0 = arith.constant 0 : index
    %get3A_1 = vector.load %arg2[%get3A, %get3A_0] : memref<4096x768xf32, #tpu.memory_space<vmem>>, vector<4096x768xf32>
    %transpose3A = tpu.transpose %get3A_1, [1, 0] : vector<4096x768xf32> -> vector<768x4096xf32>
    %swap3A = arith.constant 0 : index
    %swap3A_2 = arith.constant 0 : index
    %swap3A_3 = vector.load %arg5[%swap3A, %swap3A_2] : memref<770x4096xf32, #tpu.memory_space<vmem>>, vector<768x4096xf32>
    tpu.vector_store %arg5[%swap3A, %swap3A_2], %transpose3A {strides = array<i32>} : memref<770x4096xf32, #tpu.memory_space<vmem>>, vector<768x4096xf32>,
    %get3A_4 = arith.constant 0 : index
    %get3A_5 = arith.constant 0 : index
    %get3A_6 = vector.load %arg3[%get3A_4, %get3A_5] : memref<2x4096xf32, #tpu.memory_space<vmem>>, vector<2x4096xf32>
    %swap3A_7 = arith.constant 768 : index
    %swap3A_8 = arith.constant 0 : index
    %swap3A_9 = vector.load %arg5[%swap3A_7, %swap3A_8] : memref<770x4096xf32, #tpu.memory_space<vmem>>, vector<2x4096xf32>
    tpu.vector_store %arg5[%swap3A_7, %swap3A_8], %get3A_6 {strides = array<i32>} : memref<770x4096xf32, #tpu.memory_space<vmem>>, vector<2x4096xf32>,
    return
  }
  func.func @transform_0(%arg0: i32, %arg1: memref<1xi32, #tpu.memory_space<smem>>) -> (i32, i32) {
    %c0_i32 = arith.constant 0 : i32
    %c0_i32_0 = arith.constant 0 : i32
    %c0_i32_1 = arith.constant 0 : i32
    return %c0_i32, %c0_i32_0 : i32, i32
  }
  func.func @transform_1(%arg0: i32, %arg1: memref<1xi32, #tpu.memory_space<smem>>) -> (i32, i32) {
    %c0_i32 = arith.constant 0 : i32
    %c0_i32_0 = arith.constant 0 : i32
    %c0_i32_1 = arith.constant 0 : i32
    return %c0_i32, %c0_i32_0 : i32, i32
  }
  func.func @transform_3(%arg0: i32, %arg1: memref<1xi32, #tpu.memory_space<smem>>) -> (i32, i32) {
    %get3A = arith.constant 0 : index
    %get3A_0 = memref.load %arg1[%get3A] : memref<1xi32, #tpu.memory_space<smem>>
    %c0_i32 = arith.constant 0 : i32
    %c0_i32_1 = arith.constant 0 : i32
    return %c0_i32, %get3A_0 : i32, i32
  }
}

</mosaic_0001>

<sc_bundles>
// kernel: kernel.4.cloned.1.call-start
scs
__scs_entry_jumppad:
0x0: {  	(pc) =	sbr.rel $0x88, $3  }
0x1: {  	(tag) =	ssettag $0x0;
	lr =	simm.s32 $0x1  }
0x2: {  	[smem:$0x3F9C] =	sst lr;
	_ =	strace $0xD0000000  }
0x3: {  	_ = 	snop  }
0x4: {  	_ = 	snop  }
0x5: {  	_ = 	snop  }
0x6: {  	_ = 	snop  }
0x7: {  	_ = 	snop  }
__scs_overlays_trampoline_lowered:
0x8: {  	[smem:$0x3FAB] =	sst s0  }
0x9: {  	[smem:$0x3FAC] =	sst s1  }
0xa: {  	[smem:$0x3FAD] =	sst s2  }
0xb: {  	[smem:$0x3FAE] =	sst s3  }
0xc: {  	[smem:$0x3FAF] =	sst s4  }
0xd: {  	[smem:$0x3FB0] =	sst s5  }
0xe: {  	[smem:$0x3FB1] =	sst s6  }
0xf: {  	[smem:$0x3FB2] =	sst s7  }
0x10: {  	[smem:$0x3FB3] =	sst s8  }
0x11: {  	[smem:$0x3FB4] =	sst s9;
	s0 =	simm.s32 @!p0 $0x0  }
0x12: {  	s1 =	sld [smem:$0x3F9A];
	s0 =	simm.s32 @p0 $0x1  }
0x13: {  	[smem:$0x3FB5] =	sst s0;
	s0 =	simm.s32 @!p1 $0x0  }
0x14: {  	s2 =	sld [smem:$0x3F99];
	s0 =	simm.s32 @p1 $0x1  }
0x15: {  	[smem:$0x3FB6] =	sst s0;
	s0 =	simm.s32 @!p2 $0x0  }
0x16: {  	s3 =	sld [smem:$0x3FDB];
	s0 =	simm.s32 @p2 $0x1  }
0x17: {  	s4 =	simm.s32 $0x1BF5;
	[smem:$0x3FB8] =	sst s0  }
0x18: {  	s0 =	sld [smem:$0x3F9B];
	_ =	swait.ge [sflag:s4], $0x0  }
0x19: {  	s7 =	sld [smem:$0x3F9C]  }
0x1a: {  	s8 =	sadd.s32 $0xFFFFE003, lr  }
0x1b: {  	s9 =	sadd.s32 $0xFFFFFEF7, lr;
	s5 =	simm.s32 $0xFFFFFFFF;
	p2 =	slt.u32 s8, $0xFFFFF086  }
0x1c: {  	p1 =	slt.u32 s9, $0xF7A;
	s5 =	simm.s32 @!p2 $0x0  }
0x1d: {  	s5 =	simm.s32 @p1 $0x1;
	p0 =	seq.s32 s7, s2  }
0x1e: {  	s7 =	smul.u32 @!p0 $0xF7A, s2;
	p2 =	seq.s32 @!p0 s5, $0x0  }
0x1f: {  	s9 =	smul.u32 $0xF7A, s1;
	s8 =	simm.s32 @!p0 $0x1BF5;
	p2 =	por !p2, p0  }
0x20: {  	[sflag:s8] =	ssyncset.s32 @!p0 $0xFFFFF086;
	s6 =	sadd.s32 @!p0 s3, s7;
	s7 =	simm.s32 @!p0 $0x108  }
0x21: {  	s3 =	sadd.s32 s3, s9;
	s6 =	sadd.s32 @!p0 $0x88, s6;
	s7 =	simm.s32 @p2 $0x1082  }
0x22: {  	[simem:s7], [sflag:s8] =	dma.local @!p0 [hbm:s6], $0xF7A  }
0x23: {  	s9 =	sor.u32 $0xD0000000, s2;
	s6 =	simm.s32 $0x108;
	_ =	swait.ge @!p0 [sflag:s8], $0x0  }
0x24: {  	s3 =	sadd.s32 $0x88, s3;
	s6 =	simm.s32 @!p1 $0x1082;
	[sflag:s4] =	ssyncset.s32 $0xFFFFF086  }
0x25: {  	[simem:s6], [sflag:s4] =	dma.local [hbm:s3], $0xF7A  }
0x26: {  	[smem:$0x3F9C] =	sst s1;
	(tag) =	ssettag s2;
	_ =	strace s9  }
0x27: {  	s1 =	sld [smem:$0x3FAC]  }
0x28: {  	s2 =	sld [smem:$0x3FAD]  }
0x29: {  	s4 =	sld [smem:$0x3FAF]  }
0x2a: {  	p0 =	seq.s32 s5, $0x0;
	s5 =	sld [smem:$0x3FB0]  }
0x2b: {  	s6 =	sld [smem:$0x3FB1]  }
0x2c: {  	s7 =	sld [smem:$0x3FB2]  }
0x2d: {  	s3 =	simm.s32 $0x108;
	s8 =	sld [smem:$0x3FB3]  }
0x2e: {  	s3 =	simm.s32 @!p0 $0x1082;
	s9 =	sld [smem:$0x3FB4]  }
0x2f: {  	lr =	sadd.s32 s0, s3;
	s0 =	sld [smem:$0x3FAB]  }
0x30: {  	s3 =	sld [smem:$0x3FAE]  }
0x31: {  	[smem:$0x3FB7] =	sst s10  }
0x32: {  	s10 =	sld [smem:$0x3FB5];
	_ =	sdelay $0x3  }
0x33: {  	p0 =	seq.s32 s10, $0x1;
	s10 =	sld [smem:$0x3FB7];
	_ =	sdelay $0x3  }
0x34: {  	[smem:$0x3FB7] =	sst s10  }
0x35: {  	s10 =	sld [smem:$0x3FB6];
	_ =	sdelay $0x3  }
0x36: {  	p1 =	seq.s32 s10, $0x1;
	s10 =	sld [smem:$0x3FB7];
	_ =	sdelay $0x3  }
0x37: {  	[smem:$0x3FB7] =	sst s10  }
0x38: {  	s10 =	sld [smem:$0x3FB8]  }
0x39: {  	_ = 	snop;
	(pc) =	sbr.ind lr, $3  }
0x3a: {  	_ = 	snop  }
0x3b: {  	_ = 	snop  }
0x3c: {  	p2 =	seq.s32 s10, $0x1;
	s10 =	sld [smem:$0x3FB7]  }
0x3d: {  	_ =	shalt  }
0x3e: {  	_ =	shalt  }
0x3f: {  	_ =	shalt  }
0x40: {  	_ =	shalt  }
0x41: {  	_ =	shalt  }
0x42: {  	_ =	shalt  }
0x43: {  	_ =	shalt  }
0x44: {  	_ =	shalt  }
0x45: {  	_ =	shalt  }
0x46: {  	_ =	shalt  }
0x47: {  	_ =	shalt  }
0x48: {  	_ =	shalt  }
0x49: {  	_ =	shalt  }
0x4a: {  	_ =	shalt  }
0x4b: {  	_ =	shalt  }
0x4c: {  	_ =	shalt  }
0x4d: {  	_ =	shalt  }
0x4e: {  	_ =	shalt  }
0x4f: {  	_ =	shalt  }
0x50: {  	_ =	shalt  }
0x51: {  	_ =	shalt  }
0x52: {  	_ =	shalt  }
0x53: {  	_ =	shalt  }
0x54: {  	_ =	shalt  }
0x55: {  	_ =	shalt  }
0x56: {  	_ =	shalt  }
0x57: {  	_ =	shalt  }
0x58: {  	_ =	shalt  }
0x59: {  	_ =	shalt  }
0x5a: {  	_ =	shalt  }
0x5b: {  	_ =	shalt  }
0x5c: {  	_ =	shalt  }
0x5d: {  	_ =	shalt  }
0x5e: {  	_ =	shalt  }
0x5f: {  	_ =	shalt  }
0x60: {  	_ =	shalt  }
0x61: {  	_ =	shalt  }
0x62: {  	_ =	shalt  }
0x63: {  	_ =	shalt  }
0x64: {  	_ =	shalt  }
0x65: {  	_ =	shalt  }
0x66: {  	_ =	shalt  }
0x67: {  	_ =	shalt  }
0x68: {  	_ =	shalt  }
0x69: {  	_ =	shalt  }
0x6a: {  	_ =	shalt  }
0x6b: {  	_ =	shalt  }
0x6c: {  	_ =	shalt  }
0x6d: {  	_ =	shalt  }
0x6e: {  	_ =	shalt  }
0x6f: {  	_ =	shalt  }
0x70: {  	_ =	shalt  }
0x71: {  	_ =	shalt  }
0x72: {  	_ =	shalt  }
0x73: {  	_ =	shalt  }
0x74: {  	_ =	shalt  }
0x75: {  	_ =	shalt  }
0x76: {  	_ =	shalt  }
0x77: {  	_ =	shalt  }
0x78: {  	_ =	shalt  }
0x79: {  	_ =	shalt  }
0x7a: {  	_ =	shalt  }
0x7b: {  	_ =	shalt  }
0x7c: {  	_ =	shalt  }
0x7d: {  	_ =	shalt  }
0x7e: {  	_ =	shalt  }
0x7f: {  	_ =	shalt  }
0x80: {  	_ =	shalt  }
0x81: {  	_ =	shalt  }
0x82: {  	_ =	shalt  }
0x83: {  	_ =	shalt  }
0x84: {  	_ =	shalt  }
0x85: {  	_ =	shalt  }
0x86: {  	_ =	shalt  }
0x87: {  	_ =	shalt  }
.Lfunc_end0:
.L_simem_size_0:
called_computation_lowered:
.L_overlay_start_0:
0x88: {  	s2 =	sld [smem:$0x3FD9]  }
0x89: {  	s3 =	sld [smem:$0x3FFE];
	_ =	sdelay $0x1  }
0x8a: {  	s1 =	srdreg.scid  }
0x8b: {  	s0 =	sand.u32 $0x1, s1  }
0x8c: {  	s14 =	sshll.u32 s0, $0xA;
	s2 =	sadd.s32 s3, s2  }
0x8d: {  	s2 =	sadd.s32 s2, s14  }
0x8e: {  	[smem:$0x3FC3] =	sst s2  }
0x8f: {  	_ = 	snop  }
0x90: {  	s2 =	sld [smem:$0x3FD0];
	_ =	sdelay $0x2  }
0x91: {  	s15 =	simm.s32 $0xA;
	s4 =	simm.s32 $0x10  }
0x92: {  	[smem:s4], [sflag:s15] =	dma.local [hbm:s2], $0x1  }
0x93: {  	_ =	swait.eq [sflag:s15], $0x1  }
0x94: {  	[sflag:s15] =	ssyncset.done $0x0  }
0x95: {  	[sflag:s15] =	ssyncadd.s32 $0xFFFFFFFF  }
0x96: {  	s16 =	sld [smem:$0x10];
	(tm) =	ssettm $0x1  }
0x97: {  	s17 =	sld [smem:$0x3FFB];
	_ =	sdelay $0x3  }
0x98: {  	_ =	strace s17  }
0x99: {  	s3 =	sld [smem:$0x3FFC];
	_ =	sdelay $0x3  }
0x9a: {  	_ =	strace s3  }
0x9b: {  	s3 =	sld [smem:$0x3FFD];
	_ =	sdelay $0x3  }
0x9c: {  	_ =	strace s3  }
0x9d: {  	_ =	strace $0x8FFFFFFF  }
0x9e: {  	s18 =	sld [smem:$0x3FDB];
	_ =	sdelay $0x1  }
0x9f: {  	s19 =	simm.s32 $_scs_section_size  }
0xa0: {  	s5 =	simm.s32 $_size__tile_overlayer_lowered;
	s6 =	simm.s32 $_tile_overlayer_lowered  }
0xa1: {  	s22 =	simm.s32 $0x1BFF;
	s21 =	sshll.u32 s6, $0x1;
	s3 =	sadd.s32 s19, s18  }
0xa2: {  	s7 =	simm.s32 $0x0;
	s20 =	sshll.u32 s5, $0x1;
	s5 =	sadd.s32 s21, s3  }
0xa3: {  	[timem:s7], [sflag:s22] =	dma.local [hbm:s5], s20  }
0xa4: {  	_ =	swait.ge [sflag:s22], s20  }
0xa5: {  	s4 =	ssub.s32 $0x0, s20;
	[sflag:s22] =	ssyncset.done $0x0  }
0xa6: {  	[sflag:s22] =	ssyncadd.s32 s4;
	_ =	sdelay $0x1  }
0xa7: {  	s23 =	simm.s32 $0x1B8B  }
0xa8: {  	_ =	swait.ge [sflag:s23], $0x1  }
0xa9: {  	[sflag:s23] =	ssyncset.done $0x0  }
0xaa: {  	s25 =	simm.s32 $0x1B8E;
	s24 =	sld [smem:$0x3FFE];
	[sflag:s23] =	ssyncadd.s32 $0xFFFFFFFF  }
0xab: {  	s26 =	simm.s32 $execute0_lowered;
	[smem:$0x3FD2] =	sst s25  }
0xac: {  	s5 =	sshll.u32 s26, $0x1;
	_ =	strace $0x80000046;
	[dreg:$0x1] =	wrdreg $0xFFFFFFFF  }
0xad: {  	s28 =	simm.s32 $_size_execute0_lowered;
	s3 =	sadd.s32 s3, s5;
	[dreg:$0x0] =	wrdreg $0x0  }
0xae: {  	s5 =	sshll.u32 s28, $0x1;
	[dreg:$0x2] =	wrdreg s3  }
0xaf: {  	[dreg:$0x3] =	wrdreg s5  }
0xb0: {  	[dreg:$0x4] =	wrdreg $0xC0  }
0xb1: {  	_ =	task [dreg:s7], $0x5FFFF  }
0xb2: {  	[dreg:$0x1] =	wrdreg $0xFFFFFFFF  }
0xb3: {  	[dreg:$0x0] =	wrdreg $0x60  }
0xb4: {  	[dreg:$0x2] =	wrdreg s16  }
0xb5: {  	[dreg:$0x3] =	wrdreg s24  }
0xb6: {  	[dreg:$0x4] =	wrdreg $0x9  }
0xb7: {  	_ =	task.clear_ibuf [dreg:s7], $0x5FFFF;
	_ =	strace $0x90000046  }
0xb8: {  	s29 =	simm.s32 $0x9;
	_ =	strace $0x80000048  }
0xb9: {  	_ =	swait.ge [sflag:s29], $0x1  }
0xba: {  	[sflag:s29] =	ssyncadd.s32 $0xFFFFFFFF  }
0xbb: {  	_ =	strace $0x90000048  }
0xbc: {  	_ =	sfence  }
0xbd: {  	s30 =	sld [smem:$0x0];
	_ =	sdelay $0x2  }
0xbe: {  	s31 =	sshll.u32 s1, $0xD;
	s1 =	sshrl.u32 s1, $0x2  }
0xbf: {  	s3 =	sand.u32 $0x4000, s31;
	s1 =	sadd.s32 s1, s30  }
0xc0: {  	s0 =	sor.u32 s3, s0;
	s1 =	sshll.u32 s1, $0x11  }
0xc1: {  	s0 =	sor.u32 s1, s0  }
0xc2: {  	s0 =	sadd.s32 $0x8F2B, s0  }
0xc3: {  	[sflag:s0] =	ssyncadd.remote.s32 $0x1  }
0xc4: {  	_ =	sfence.sel $0xFFFF  }
0xc5: {  	[dreg:$0x0] =	wrdreg $0xFFFFFFFF;
	(pc) =	sbr.abs _section_cstart, $3  }
0xc6: {  	[dreg:$0x1] =	wrdreg $0xFFFFFFFF  }
0xc7: {  	_ =	task.clear_ibuf [dreg:s7], $0x2FFFF;
	_ =	strace $0x9FFFFFFF  }
0xc8: {  	(tm) =	ssettm $0x7FFFFFFF  }
0xc9: {  	_ =	shalt  }
tec
execute0_lowered:
.L_overlay_start_1:
0x0: {  	(tag) =	ssettag $0x1  }
0x1: {  	s2 =	rddreg [dreg:$0x0];
	s1 =	srdreg.scid  }
0x2: {  	s0 =	stileid.u32;
	s5 =	rddreg [dreg:$0x1];
	s8 =	simm.s32 $0x1  }
0x3: {  	s9 =	simm.s32 $0x2;
	s4 =	sand.u32 $0x1, s1;
	s3 =	sshll.u32 s0, $0x1  }
.Ltmp0:
0x4: {  	s10 =	simm.s32 $0x0;
	s6 =	sor.u32 s4, s3;
	(pc) =	sbr.rel .LBB2_1-.Ltmp0, $4  }
0x5: {  	s1 =	rddreg [dreg:$0x2];
	s7 =	ssub.s32 $0x2, s4;
	s4 =	smul.u32 $0x181000, s6  }
0x6: {  	s5 =	sadd.s32 $0x1200, s5;
	s3 =	simm.s32 $0x0;
	s30 =	sshrl.u32 s7, $0x1  }
0x7: {  	[smem:$0x7FF] =	sst s3;
	s7 =	ssub.s32 s7, s30;
	s31 =	sshrl.u32 s4, $0x3  }
0x8: {  	_ =	strace $0x80000047;
	s7 =	smax.u32 s7, $0x1;
	s6 =	sadd.s32 s2, s31  }
.LBB2_10:
0x9: {  	s10 =	sadd.s32 $0x1, s10  }
0xa: {  	p0 =	sne.s32 s10, s7  }
.Ltmp1:
0xb: {  	_ = 	snop;
	(pc) =	sbr.rel @!p0 .LBB2_11-.Ltmp1, $4  }
0xc: {  	_ = 	snop  }
0xd: {  	_ =	swait.ge [sflag:s9], $0xB000  }
0xe: {  	[sflag:s9] =	ssyncset.done $0x0  }
0xf: {  	[sflag:s9] =	ssyncadd.s32 $0xFFFF5000  }
.LBB2_1:
0x10: {  	s12 =	simm.s32 $0x0;
	s13 =	simm.s32 $0x0  }
.LBB2_2:
0x11: {  	p0 =	sne.s32 s13, $0x15F0  }
.Ltmp2:
0x12: {  	_ = 	snop;
	(pc) =	sbr.rel @p0 .LBB2_2-.Ltmp2, $4  }
0x13: {  	_ = 	snop  }
0x14: {  	s14 =	sadd.s32 s13, s6;
	s11 =	simm.s32 $0x0  }
0x15: {  	[tilespmem:s12], [sflag:$0x1] =	stream.linear.gather [hbm4b:s14+s11], $0x80, $0x38;
	[tilespmem:$0x16000] =	vst v63  }
0x16: {  	s13 =	sadd.s32 $0x10, s13;
	s12 =	sadd.s32 $0x100, s12  }
0x17: {  	p0 =	por $0x0, $0x0  }
.LBB2_4:
0x18: {  	s14 =	smul.u32 $0xB000, s11  }
0x19: {  	s12 =	simm.s32 $0x1;
	_ =	swait.ge [sflag:s8], $0xB000  }
0x1a: {  	s31 =	sshll.u32 s11, $0x7;
	s12 =	simm.s32 @!p0 $0x0;
	s30 =	sadd.s32 s4, s14  }
0x1b: {  	[sflag:s8] =	ssyncset.done $0x0;
	s13 =	sshll.u32 s12, $0x7;
	s15 =	sshrl.u32 s30, $0x3  }
0x1c: {  	s12 =	sand.u32 $0x80, s31;
	[sflag:s8] =	ssyncadd.s32 $0xFFFF5000;
	s14 =	sadd.s32 s5, s15  }
0x1d: {  	s16 =	sadd.s32 $0x100, s13;
	s15 =	simm.s32 $0x10;
	s17 =	sadd.s32 $0x0, s14  }
.LBB2_5:
0x1e: {  	[hbm4b:s17+s3] =	stream.linear.scatter [tilespmem:s13], [sflag:$0x2], $0x80, $0x38;
	[tilespmem:$0x16000] =	vst v63  }
0x1f: {  	s17 =	smov.u32 s15;
	s13 =	smov.u32 s16;
	p1 =	sne.s32 s15, $0x15F0  }
.Ltmp3:
0x20: {  	s15 =	sadd.s32 $0x10, s15;
	(pc) =	sbr.rel @p1 .LBB2_5-.Ltmp3, $2  }
0x21: {  	_ =	sdelay $0x2  }
0x22: {  	s16 =	sadd.s32 $0x100, s16;
	s17 =	sadd.s32 s17, s14  }
0x23: {  	[hbm4b:s17+s3] =	stream.linear.scatter [tilespmem:s13], [sflag:$0x2], $0x80, $0x38;
	[tilespmem:$0x16000] =	vst v63  }
0x24: {  	p1 =	seq.s32 s11, $0x0  }
0x25: {  	p2 =	seq.s32 @!p1 s11, $0x22  }
0x26: {  	p2 =	por p1, !p2  }
.Ltmp4:
0x27: {  	_ = 	snop;
	(pc) =	sbr.rel @!p2 .LBB2_10-.Ltmp4, $4  }
0x28: {  	s13 =	simm.s32 @!p1 $0x2  }
0x29: {  	_ =	swait.ge @!p1 [sflag:s13], $0xB000  }
0x2a: {  	[sflag:s13] =	ssyncset.done @!p1 $0x0  }
0x2b: {  	[sflag:s13] =	ssyncadd.s32 @!p1 $0xFFFF5000  }
0x2c: {  	s11 =	sadd.s32 @!p1 $0x1, s11  }
0x2d: {  	s11 =	simm.s32 @p1 $0x1  }
0x2e: {  	s13 =	smul.u32 $0xB000, s11;
	_ =	sdelay $0x1  }
0x2f: {  	s13 =	sadd.s32 s4, s13  }
0x30: {  	s13 =	sshrl.u32 s13, $0x3  }
0x31: {  	s12 =	sxor.u32 $0x80, s12;
	s13 =	sadd.s32 s2, s13  }
0x32: {  	s14 =	simm.s32 $0x10;
	s15 =	sadd.s32 $0x100, s12;
	s16 =	sadd.s32 $0x0, s13  }
.LBB2_8:
0x33: {  	[tilespmem:s12], [sflag:$0x1] =	stream.linear.gather [hbm4b:s16+s3], $0x80, $0x38;
	[tilespmem:$0x16000] =	vst v63  }
0x34: {  	s16 =	smov.u32 s14;
	s12 =	smov.u32 s15;
	p1 =	sne.s32 s14, $0x15F0  }
.Ltmp5:
0x35: {  	s14 =	sadd.s32 $0x10, s14;
	(pc) =	sbr.rel @p1 .LBB2_8-.Ltmp5, $2  }
0x36: {  	_ =	sdelay $0x2  }
0x37: {  	s15 =	sadd.s32 $0x100, s15;
	s16 =	sadd.s32 s16, s13  }
0x38: {  	p1 =	slt.u32 s11, $0x23  }
.Ltmp6:
0x39: {  	_ = 	snop;
	(pc) =	sbr.rel @p1 .LBB2_4-.Ltmp6, $4  }
.Ltmp7:
0x3a: {  	_ = 	snop;
	(pc) =	sbr.rel @!p1 .LBB2_10-.Ltmp7, $4  }
0x3b: {  	_ = 	snop  }
0x3c: {  	[tilespmem:s12], [sflag:$0x1] =	stream.linear.gather [hbm4b:s16+s3], $0x80, $0x38;
	[tilespmem:$0x16000] =	vst v63  }
0x3d: {  	p0 =	por !p0, !p0  }
0x3e: {  	_ = 	snop  }
.LBB2_11:
0x3f: {  	_ =	sfence.sel $0x180000  }
0x40: {  	[bflag:$0x0] =	sbarrier.arrive $0xFFFF  }
0x41: {  	p0 =	sne.s32 s0, $0x0;
	_ =	strace $0x90000047  }
0x42: {  	s0 =	sadd.s32 @!p0 $0x100000, s1;
	[bflag:$0x2] =	sbarrier.arrive $0xFFFF  }
0x43: {  	[sflag:s0] =	ssyncadd.tile.s32 @!p0 $0x1;
	_ =	shalt  }
.Lfunc_end2:
_tile_overlayer_lowered:
.L_overlay_start_2:
0x44: {  	(tag) =	ssettag $0x2  }
0x45: {  	s0 =	rddreg [dreg:$0x0];
	s2 =	stileid.u32  }
0x46: {  	s1 =	rddreg [dreg:$0x1];
	p0 =	sne.s32 s2, $0x0  }
0x47: {  	s3 =	rddreg [dreg:$0x2];
	[bflag:$0x3] =	sbarrier.arrive $0xFFFF;
	s2 =	simm.s32 @!p0 $0x1C03  }
0x48: {  	[timem:s3], [sflag:s2] =	dma.local @!p0 [hbm:s0], s1  }
0x49: {  	s0 =	simm.s32 @!p0 $0x3  }
0x4a: {  	_ =	swait.ge @!p0 [sflag:s0], s1  }
0x4b: {  	s1 =	ssub.s32 @!p0 $0x0, s1;
	[sflag:s0] =	ssyncset.done @!p0 $0x0  }
0x4c: {  	[sflag:s0] =	ssyncadd.s32 @!p0 s1  }
0x4d: {  	[bflag:$0x3] =	sbarrier.arrive $0xFFFF  }
0x4e: {  	_ =	shalt  }

</sc_bundles>
